<compile_context>
chip_gen: v7x
topology: tpu7x:2x2x1
jax: 0.10.2.dev20260603
libtpu: 0.0.44.dev20260713+nightly
codegen_flags: <defaults>
</compile_context>

<pallas_src>
import functools

import jax
import jax.numpy as jnp
from jax import lax
from jax.experimental import pallas as pl
from jax.experimental.pallas import tpu as pltpu
from jax.experimental.pallas import tpu_sc as plsc

_SBLK = 2048
_CHUNK = 2048


def _vq_body(xT_ref, e_ref, xsq_ref, esq_ref, idx_ref, loss_ref):
    bi = pl.program_id(0)
    si = pl.program_id(1)
    xb = xT_ref[0]
    e = e_ref[...]
    k = e.shape[0]
    sblk = xb.shape[1]
    e2 = e * 2.0
    xsq = xsq_ref[0, 0, :]
    esq = esq_ref[0, 0, :]

    acc = jnp.full((sblk,), jnp.inf, jnp.float32)
    val = jnp.zeros((sblk,), jnp.float32)
    idx = jnp.zeros((sblk,), jnp.int32)
    for c in range(k // _CHUNK):
        ec = e2[c * _CHUNK:(c + 1) * _CHUNK, :]
        dot2 = jax.lax.dot_general(
            ec, xb, (((1,), (0,)), ((), ())),
            preferred_element_type=jnp.float32)
        d2 = (xsq[None, :] - dot2) + esq[c * _CHUNK:(c + 1) * _CHUNK][:, None]
        m = jnp.min(d2, axis=0)
        a = jnp.argmin(d2, axis=0).astype(jnp.int32)
        better = m < acc
        idx = jnp.where(better, a + c * _CHUNK, idx)
        val = jnp.where(better, m, val)
        acc = jnp.where(better, m, acc).astype(jnp.bfloat16).astype(jnp.float32)
    idx_ref[0, 0, :] = idx

    @pl.when((bi == 0) & (si == 0))
    def _init():
        loss_ref[...] = jnp.zeros_like(loss_ref)

    loss_ref[...] += jnp.sum(val)[None, None]


def _vq_call(xT, embed, xsq, esq):
    nb, d, s = xT.shape
    k = embed.shape[0]
    ns = s // _SBLK
    return pl.pallas_call(
        _vq_body,
        grid=(nb, ns),
        in_specs=[
            pl.BlockSpec((1, d, _SBLK), lambda i, j: (i, 0, j)),
            pl.BlockSpec((k, d), lambda i, j: (0, 0)),
            pl.BlockSpec((1, 1, _SBLK), lambda i, j: (i, 0, j)),
            pl.BlockSpec((1, 1, k), lambda i, j: (0, 0, 0)),
        ],
        out_specs=[
            pl.BlockSpec((1, 1, _SBLK), lambda i, j: (i, 0, j)),
            pl.BlockSpec((1, 1), lambda i, j: (0, 0)),
        ],
        out_shape=[
            jax.ShapeDtypeStruct((nb, 1, s), jnp.int32),
            jax.ShapeDtypeStruct((1, 1), jnp.float32),
        ],
    )(xT, embed, xsq, esq)


def _sc_gather(table, idx):
    n = idx.shape[0]
    d = table.shape[1]
    info = plsc.get_sparse_core_info()
    nw = info.num_cores * info.num_subcores
    b_per_w = n // nw
    nchunk = b_per_w // 128
    mesh = plsc.VectorSubcoreMesh(core_axis_name="c", subcore_axis_name="s")

    @functools.partial(
        pl.kernel, mesh=mesh,
        out_type=jax.ShapeDtypeStruct((n, d), jnp.float32),
        scratch_types=[
            pltpu.VMEM((b_per_w,), jnp.int32),
            pltpu.VMEM((b_per_w, d), jnp.float32),
            pltpu.SemaphoreType.DMA,
        ],
    )
    def gather_kernel(table_hbm, idx_hbm, out_hbm, idx_v, rows_v, sem):
        wid = lax.axis_index("s") * info.num_cores + lax.axis_index("c")
        base = wid * b_per_w
        pltpu.sync_copy(idx_hbm.at[pl.ds(base, b_per_w)], idx_v)
        copies = [
            pltpu.async_copy(table_hbm.at[idx_v.at[pl.ds(j * 128, 128)]],
                             rows_v.at[pl.ds(j * 128, 128)], sem)
            for j in range(nchunk)
        ]
        for cp in copies:
            cp.wait()
        pltpu.sync_copy(rows_v, out_hbm.at[pl.ds(base, b_per_w)])

    return gather_kernel(table, idx)


def kernel(inputs, embed):
    commitment_cost = 0.25
    b, c, t, h, w = inputs.shape
    s = t * h * w
    n = b * s
    k = embed.shape[0]
    xT = inputs.reshape(b, c, s)
    xsq = jnp.sum(jnp.transpose(inputs, (0, 2, 3, 4, 1)).reshape(-1, c) ** 2,
                  axis=1).reshape(b, 1, s)
    esq = jnp.sum(embed ** 2, axis=1).reshape(1, 1, k)
    e_pad = jnp.pad(embed, ((0, 0), (0, 128 - c)))
    idx_parts, q_parts, loss_parts = [], [], []
    for bi in range(b):
        idx3, loss_sum = _vq_call(xT[bi:bi + 1], embed,
                                  xsq[bi:bi + 1], esq)
        idx_parts.append(idx3)
        loss_parts.append(loss_sum)
        q_parts.append(_sc_gather(e_pad, idx3.reshape(-1)))
    idx3 = jnp.concatenate(idx_parts, axis=0)
    q128 = jnp.concatenate(q_parts, axis=0)
    quantized = jnp.transpose(
        q128.reshape(b, t, h, w, 128)[..., :c], (0, 4, 1, 2, 3))
    loss = commitment_cost * sum(ls[0, 0] for ls in loss_parts) / (n * c)
    encoding_indices = idx3.reshape(b, t, h, w)
    return (loss, quantized, encoding_indices)

# --- scband reference (transcript-rebuilt; emitter-appended) ---
"""Pipeline reference for scband-quantizer-32418413150309 (READ-ONLY COPY).

The authoritative reference and input builder live on the scoring server;
editing this copy changes nothing except your own understanding.
"""

import jax, jax.numpy as jnp
import numpy as np


def setup_inputs(seed: int = 0) -> dict:
    key = jax.random.key(seed)
    k1, k2 = jax.random.split(key)
    inputs = jax.random.normal(k1, (2, 32, 4, 32, 32), dtype=jnp.float32)
    embed = jax.random.normal(k2, (8192, 32), dtype=jnp.float32)
    return {"inputs": inputs, "embed": embed}


def reference(inputs, embed):
    commitment_cost = 0.25
    embedding_dim = embed.shape[1]
    # channel_last: (B, C, T, H, W) -> (B, T, H, W, C)
    channel_last = jnp.transpose(inputs, (0, 2, 3, 4, 1))
    input_shape = channel_last.shape
    flat_input = channel_last.reshape(-1, embedding_dim)
    # torch.cdist -> euclidean distances; argmin is identical under squared distance
    d2 = (jnp.sum(flat_input ** 2, axis=1, keepdims=True)
          - 2.0 * flat_input @ embed.T
          + jnp.sum(embed ** 2, axis=1)[None, :])
    encoding_indices = jnp.argmin(d2, axis=1)
    quantized = jnp.take(embed, encoding_indices, axis=0).reshape(input_shape)
    quantized = jnp.transpose(quantized, (0, 4, 1, 2, 3))
    encoding_indices = encoding_indices.reshape(input_shape[:-1])
    # forward was under no_grad; quantized is detached
    quantized_det = jax.lax.stop_gradient(quantized)
    e_latent_loss = jnp.mean((quantized_det - inputs) ** 2)
    loss = commitment_cost * e_latent_loss
    quantized_st = inputs + jax.lax.stop_gradient(quantized_det - inputs)
    return (loss, quantized_st, encoding_indices)

if __name__ == "__main__":
    import jax
    _d = setup_inputs()
    print(jax.jit(kernel)(*tuple(_d.values())))

</pallas_src>

<mosaic_0001>
#map = affine_map<(d0, d1) -> (0, 0)>
#map1 = affine_map<(d0, d1) -> (0)>
module attributes {stable_mosaic.version = 14 : i64} {
  func.func @gather_kernel(%arg0: i32, %arg1: i32, %arg2: memref<8192x128xf32, #tpu.memory_space<hbm>>, %arg3: memref<4096xi32, #tpu.memory_space<hbm>>, %arg4: memref<4096x128xf32, #tpu.memory_space<hbm>>, %arg5: memref<128xi32, #tpu.memory_space<vmem>>, %arg6: memref<128x128xf32, #tpu.memory_space<vmem>>, %arg7: memref<!tpu.dma_semaphore, #tpu.memory_space<semaphore_mem>>) attributes {dimension_semantics = [#tpu.dimension_semantics<core_parallel>, #tpu.dimension_semantics<subcore_parallel>], iteration_bounds = array<i64: 2, 16>, scalar_prefetch = 0 : i64, scratch_operands = 3 : i64, tpu.core_type = #tpu.core_type<sc_vector_subcore>, window_params = [{transform_indices = #map}, {transform_indices = #map1}, {transform_indices = #map}]} {
    %mul3A = arith.constant 2 : i32
    %mul3A_0 = arith.muli %arg1, %mul3A : i32
    %add3A = arith.addi %mul3A_0, %arg0 : i32
    %mul3A_1 = arith.constant 128 : i32
    %mul3A_2 = arith.muli %add3A, %mul3A_1 : i32
    "tpu.region"() ({
      %run_scoped3A = tpu.sem_alloc : memref<!tpu.dma_semaphore, #tpu.memory_space<semaphore_mem>>
      %dma_start3A_17 = tpu.memref_slice %arg3[%mul3A_2] : memref<4096xi32, #tpu.memory_space<hbm>> -> memref<128xi32, #tpu.memory_space<hbm>>
      %dma_start3A_18 = tpu.memref_slice %arg3[%mul3A_2] : memref<4096xi32, #tpu.memory_space<hbm>> -> memref<128xi32, #tpu.memory_space<hbm>>
      tpu.enqueue_dma source(%dma_start3A_18 : memref<128xi32, #tpu.memory_space<hbm>>) target(%arg5 : memref<128xi32, #tpu.memory_space<vmem>>) target_semaphore(%run_scoped3A : memref<!tpu.dma_semaphore, #tpu.memory_space<semaphore_mem>>)
      %dma_wait3A_19 = tpu.memref_slice %arg3[%mul3A_2] : memref<4096xi32, #tpu.memory_space<hbm>> -> memref<128xi32, #tpu.memory_space<hbm>>
      %dma_wait3A_20 = tpu.memref_slice %arg3[%mul3A_2] : memref<4096xi32, #tpu.memory_space<hbm>> -> memref<128xi32, #tpu.memory_space<hbm>>
      tpu.wait_dma2 semaphore(%run_scoped3A : memref<!tpu.dma_semaphore, #tpu.memory_space<semaphore_mem>>) src(%dma_wait3A_20 : memref<128xi32, #tpu.memory_space<hbm>>) dst(%arg5 : memref<128xi32, #tpu.memory_space<vmem>>)
      tpu.yield
    }) : () -> ()
    %dma_start3A = arith.constant 0 : i32
    %dma_start3A_3 = arith.constant 0 : i32
    %dma_start3A_4 = tpu.memref_slice %arg6[%dma_start3A, %dma_start3A_3] : memref<128x128xf32, #tpu.memory_space<vmem>> -> memref<128x128xf32, #tpu.memory_space<vmem>>
    %dma_start3A_5 = arith.constant 0 : i32
    %dma_start3A_6 = tpu.memref_slice %arg5[%dma_start3A_5] : memref<128xi32, #tpu.memory_space<vmem>> -> memref<128xi32, #tpu.memory_space<vmem>>
    %dma_start3A_7 = arith.constant 0 : i32
    %dma_start3A_8 = arith.constant 0 : i32
    %dma_start3A_9 = tpu.memref_slice %arg2[%dma_start3A_7, %dma_start3A_8] : memref<8192x128xf32, #tpu.memory_space<hbm>> -> memref<8192x128xf32, #tpu.memory_space<hbm>>
    tpu.enqueue_indirect_dma source(%dma_start3A_9 : memref<8192x128xf32, #tpu.memory_space<hbm>>) target(%dma_start3A_4 : memref<128x128xf32, #tpu.memory_space<vmem>>) offsets(%dma_start3A_6 : memref<128xi32, #tpu.memory_space<vmem>>) semaphore(%arg7 : memref<!tpu.dma_semaphore, #tpu.memory_space<semaphore_mem>>)
    %dma_wait3A = arith.constant 0 : i32
    %dma_wait3A_10 = arith.constant 0 : i32
    %dma_wait3A_11 = tpu.memref_slice %arg6[%dma_wait3A, %dma_wait3A_10] : memref<128x128xf32, #tpu.memory_space<vmem>> -> memref<128x128xf32, #tpu.memory_space<vmem>>
    %dma_wait3A_12 = arith.constant 0 : i32
    %dma_wait3A_13 = tpu.memref_slice %arg5[%dma_wait3A_12] : memref<128xi32, #tpu.memory_space<vmem>> -> memref<128xi32, #tpu.memory_space<vmem>>
    %dma_wait3A_14 = arith.constant 0 : i32
    %dma_wait3A_15 = arith.constant 0 : i32
    %dma_wait3A_16 = tpu.memref_slice %arg2[%dma_wait3A_14, %dma_wait3A_15] : memref<8192x128xf32, #tpu.memory_space<hbm>> -> memref<8192x128xf32, #tpu.memory_space<hbm>>
    tpu.wait_indirect_dma semaphore(%arg7 : memref<!tpu.dma_semaphore, #tpu.memory_space<semaphore_mem>>) src(%dma_wait3A_16 : memref<8192x128xf32, #tpu.memory_space<hbm>>) dst(%dma_wait3A_11 : memref<128x128xf32, #tpu.memory_space<vmem>>)
    "tpu.region"() ({
      %run_scoped3A = tpu.sem_alloc : memref<!tpu.dma_semaphore, #tpu.memory_space<semaphore_mem>>
      %dma_start3A_17 = arith.constant 0 : i32
      %dma_start3A_18 = tpu.memref_slice %arg4[%mul3A_2, %dma_start3A_17] : memref<4096x128xf32, #tpu.memory_space<hbm>> -> memref<128x128xf32, #tpu.memory_space<hbm>>
      %dma_start3A_19 = arith.constant 0 : i32
      %dma_start3A_20 = tpu.memref_slice %arg4[%mul3A_2, %dma_start3A_19] : memref<4096x128xf32, #tpu.memory_space<hbm>> -> memref<128x128xf32, #tpu.memory_space<hbm>>
      tpu.enqueue_dma source(%arg6 : memref<128x128xf32, #tpu.memory_space<vmem>>) target(%dma_start3A_20 : memref<128x128xf32, #tpu.memory_space<hbm>>) target_semaphore(%run_scoped3A : memref<!tpu.dma_semaphore, #tpu.memory_space<semaphore_mem>>)
      %dma_wait3A_21 = arith.constant 0 : i32
      %dma_wait3A_22 = tpu.memref_slice %arg4[%mul3A_2, %dma_wait3A_21] : memref<4096x128xf32, #tpu.memory_space<hbm>> -> memref<128x128xf32, #tpu.memory_space<hbm>>
      %dma_wait3A_23 = arith.constant 0 : i32
      %dma_wait3A_24 = tpu.memref_slice %arg4[%mul3A_2, %dma_wait3A_23] : memref<4096x128xf32, #tpu.memory_space<hbm>> -> memref<128x128xf32, #tpu.memory_space<hbm>>
      tpu.wait_dma2 semaphore(%run_scoped3A : memref<!tpu.dma_semaphore, #tpu.memory_space<semaphore_mem>>) src(%arg6 : memref<128x128xf32, #tpu.memory_space<vmem>>) dst(%dma_wait3A_24 : memref<128x128xf32, #tpu.memory_space<hbm>>)
      tpu.yield
    }) : () -> ()
    return
  }
}

#map = affine_map<(d0, d1) -> (0, 0)>
#map1 = affine_map<(d0, d1) -> (0)>
module attributes {stable_mosaic.version = 14 : i64} {
  func.func @gather_kernel(%arg0: i32, %arg1: i32, %arg2: memref<8192x128xf32, #tpu.memory_space<hbm>>, %arg3: memref<4096xi32, #tpu.memory_space<hbm>>, %arg4: memref<4096x128xf32, #tpu.memory_space<hbm>>, %arg5: memref<128xi32, #tpu.memory_space<vmem>>, %arg6: memref<128x128xf32, #tpu.memory_space<vmem>>, %arg7: memref<!tpu.dma_semaphore, #tpu.memory_space<semaphore_mem>>) attributes {dimension_semantics = [#tpu.dimension_semantics<core_parallel>, #tpu.dimension_semantics<subcore_parallel>], iteration_bounds = array<i64: 2, 16>, scalar_prefetch = 0 : i64, scratch_operands = 3 : i64, tpu.core_type = #tpu.core_type<sc_vector_subcore>, window_params = [{transform_indices = #map}, {transform_indices = #map1}, {transform_indices = #map}]} {
    %mul3A = arith.constant 2 : i32
    %mul3A_0 = arith.muli %arg1, %mul3A : i32
    %add3A = arith.addi %mul3A_0, %arg0 : i32
    %mul3A_1 = arith.constant 128 : i32
    %mul3A_2 = arith.muli %add3A, %mul3A_1 : i32
    "tpu.region"() ({
      %run_scoped3A = tpu.sem_alloc : memref<!tpu.dma_semaphore, #tpu.memory_space<semaphore_mem>>
      %dma_start3A_17 = tpu.memref_slice %arg3[%mul3A_2] : memref<4096xi32, #tpu.memory_space<hbm>> -> memref<128xi32, #tpu.memory_space<hbm>>
      %dma_start3A_18 = tpu.memref_slice %arg3[%mul3A_2] : memref<4096xi32, #tpu.memory_space<hbm>> -> memref<128xi32, #tpu.memory_space<hbm>>
      tpu.enqueue_dma source(%dma_start3A_18 : memref<128xi32, #tpu.memory_space<hbm>>) target(%arg5 : memref<128xi32, #tpu.memory_space<vmem>>) target_semaphore(%run_scoped3A : memref<!tpu.dma_semaphore, #tpu.memory_space<semaphore_mem>>)
      %dma_wait3A_19 = tpu.memref_slice %arg3[%mul3A_2] : memref<4096xi32, #tpu.memory_space<hbm>> -> memref<128xi32, #tpu.memory_space<hbm>>
      %dma_wait3A_20 = tpu.memref_slice %arg3[%mul3A_2] : memref<4096xi32, #tpu.memory_space<hbm>> -> memref<128xi32, #tpu.memory_space<hbm>>
      tpu.wait_dma2 semaphore(%run_scoped3A : memref<!tpu.dma_semaphore, #tpu.memory_space<semaphore_mem>>) src(%dma_wait3A_20 : memref<128xi32, #tpu.memory_space<hbm>>) dst(%arg5 : memref<128xi32, #tpu.memory_space<vmem>>)
      tpu.yield
    }) : () -> ()
    %dma_start3A = arith.constant 0 : i32
    %dma_start3A_3 = arith.constant 0 : i32
    %dma_start3A_4 = tpu.memref_slice %arg6[%dma_start3A, %dma_start3A_3] : memref<128x128xf32, #tpu.memory_space<vmem>> -> memref<128x128xf32, #tpu.memory_space<vmem>>
    %dma_start3A_5 = arith.constant 0 : i32
    %dma_start3A_6 = tpu.memref_slice %arg5[%dma_start3A_5] : memref<128xi32, #tpu.memory_space<vmem>> -> memref<128xi32, #tpu.memory_space<vmem>>
    %dma_start3A_7 = arith.constant 0 : i32
    %dma_start3A_8 = arith.constant 0 : i32
    %dma_start3A_9 = tpu.memref_slice %arg2[%dma_start3A_7, %dma_start3A_8] : memref<8192x128xf32, #tpu.memory_space<hbm>> -> memref<8192x128xf32, #tpu.memory_space<hbm>>
    tpu.enqueue_indirect_dma source(%dma_start3A_9 : memref<8192x128xf32, #tpu.memory_space<hbm>>) target(%dma_start3A_4 : memref<128x128xf32, #tpu.memory_space<vmem>>) offsets(%dma_start3A_6 : memref<128xi32, #tpu.memory_space<vmem>>) semaphore(%arg7 : memref<!tpu.dma_semaphore, #tpu.memory_space<semaphore_mem>>)
    %dma_wait3A = arith.constant 0 : i32
    %dma_wait3A_10 = arith.constant 0 : i32
    %dma_wait3A_11 = tpu.memref_slice %arg6[%dma_wait3A, %dma_wait3A_10] : memref<128x128xf32, #tpu.memory_space<vmem>> -> memref<128x128xf32, #tpu.memory_space<vmem>>
    %dma_wait3A_12 = arith.constant 0 : i32
    %dma_wait3A_13 = tpu.memref_slice %arg5[%dma_wait3A_12] : memref<128xi32, #tpu.memory_space<vmem>> -> memref<128xi32, #tpu.memory_space<vmem>>
    %dma_wait3A_14 = arith.constant 0 : i32
    %dma_wait3A_15 = arith.constant 0 : i32
    %dma_wait3A_16 = tpu.memref_slice %arg2[%dma_wait3A_14, %dma_wait3A_15] : memref<8192x128xf32, #tpu.memory_space<hbm>> -> memref<8192x128xf32, #tpu.memory_space<hbm>>
    tpu.wait_indirect_dma semaphore(%arg7 : memref<!tpu.dma_semaphore, #tpu.memory_space<semaphore_mem>>) src(%dma_wait3A_16 : memref<8192x128xf32, #tpu.memory_space<hbm>>) dst(%dma_wait3A_11 : memref<128x128xf32, #tpu.memory_space<vmem>>)
    "tpu.region"() ({
      %run_scoped3A = tpu.sem_alloc : memref<!tpu.dma_semaphore, #tpu.memory_space<semaphore_mem>>
      %dma_start3A_17 = arith.constant 0 : i32
      %dma_start3A_18 = tpu.memref_slice %arg4[%mul3A_2, %dma_start3A_17] : memref<4096x128xf32, #tpu.memory_space<hbm>> -> memref<128x128xf32, #tpu.memory_space<hbm>>
      %dma_start3A_19 = arith.constant 0 : i32
      %dma_start3A_20 = tpu.memref_slice %arg4[%mul3A_2, %dma_start3A_19] : memref<4096x128xf32, #tpu.memory_space<hbm>> -> memref<128x128xf32, #tpu.memory_space<hbm>>
      tpu.enqueue_dma source(%arg6 : memref<128x128xf32, #tpu.memory_space<vmem>>) target(%dma_start3A_20 : memref<128x128xf32, #tpu.memory_space<hbm>>) target_semaphore(%run_scoped3A : memref<!tpu.dma_semaphore, #tpu.memory_space<semaphore_mem>>)
      %dma_wait3A_21 = arith.constant 0 : i32
      %dma_wait3A_22 = tpu.memref_slice %arg4[%mul3A_2, %dma_wait3A_21] : memref<4096x128xf32, #tpu.memory_space<hbm>> -> memref<128x128xf32, #tpu.memory_space<hbm>>
      %dma_wait3A_23 = arith.constant 0 : i32
      %dma_wait3A_24 = tpu.memref_slice %arg4[%mul3A_2, %dma_wait3A_23] : memref<4096x128xf32, #tpu.memory_space<hbm>> -> memref<128x128xf32, #tpu.memory_space<hbm>>
      tpu.wait_dma2 semaphore(%run_scoped3A : memref<!tpu.dma_semaphore, #tpu.memory_space<semaphore_mem>>) src(%arg6 : memref<128x128xf32, #tpu.memory_space<vmem>>) dst(%dma_wait3A_24 : memref<128x128xf32, #tpu.memory_space<hbm>>)
      tpu.yield
    }) : () -> ()
    return
  }
}

module attributes {stable_mosaic.version = 14 : i64} {
  func.func @_vq_body(%arg0: i32, %arg1: i32, %arg2: memref<1x32x2048xf32, #tpu.memory_space<vmem>>, %arg3: memref<8192x32xf32, #tpu.memory_space<vmem>>, %arg4: memref<1x1x2048xf32, #tpu.memory_space<vmem>>, %arg5: memref<1x1x8192xf32, #tpu.memory_space<vmem>>, %arg6: memref<1x1x2048xi32, #tpu.memory_space<vmem>>, %arg7: memref<1x1xf32, #tpu.memory_space<vmem>>) attributes {dimension_semantics = [#tpu.dimension_semantics<arbitrary>, #tpu.dimension_semantics<arbitrary>], iteration_bounds = array<i64: 1, 2>, scalar_prefetch = 0 : i64, scratch_operands = 0 : i64, tpu.core_type = #tpu.core_type<tc>, window_params = [{transform_indices = @transform_0, window_bounds = array<i64: 1, 32, 2048>}, {pipeline_mode = #tpu.pipeline_mode<synchronous>, transform_indices = @transform_1, window_bounds = array<i64: 8192, 32>}, {transform_indices = @transform_2, window_bounds = array<i64: 1, 1, 2048>}, {pipeline_mode = #tpu.pipeline_mode<synchronous>, transform_indices = @transform_3, window_bounds = array<i64: 1, 1, 8192>}, {transform_indices = @transform_4, window_bounds = array<i64: 1, 1, 2048>}, {pipeline_mode = #tpu.pipeline_mode<synchronous>, transform_indices = @transform_5, window_bounds = array<i64: 1, 1>}]} {
    %get3A = arith.constant 0 : index
    %get3A_0 = arith.constant 0 : index
    %get3A_1 = arith.constant 0 : index
    %get3A_2 = vector.load %arg2[%get3A, %get3A_0, %get3A_1] : memref<1x32x2048xf32, #tpu.memory_space<vmem>>, vector<1x32x2048xf32>
    %get3A_3 = vector.shape_cast %get3A_2 : vector<1x32x2048xf32> to vector<32x2048xf32>
    %get3A_4 = arith.constant 0 : index
    %get3A_5 = arith.constant 0 : index
    %get3A_6 = vector.load %arg3[%get3A_4, %get3A_5] : memref<8192x32xf32, #tpu.memory_space<vmem>>, vector<8192x32xf32>
    %mul3A = arith.constant 2.000000e+00 : f32
    %mul3A_7 = vector.broadcast %mul3A : f32 to vector<8192x32xf32>
    %mul3A_8 = arith.mulf %get3A_6, %mul3A_7 : vector<8192x32xf32>
    %get3A_9 = arith.constant 0 : index
    %get3A_10 = arith.constant 0 : index
    %get3A_11 = arith.constant 0 : index
    %get3A_12 = vector.load %arg4[%get3A_9, %get3A_10, %get3A_11] : memref<1x1x2048xf32, #tpu.memory_space<vmem>>, vector<1x1x2048xf32>
    %get3A_13 = vector.shape_cast %get3A_12 : vector<1x1x2048xf32> to vector<2048xf32>
    %get3A_14 = arith.constant 0 : index
    %get3A_15 = arith.constant 0 : index
    %get3A_16 = arith.constant 0 : index
    %get3A_17 = vector.load %arg5[%get3A_14, %get3A_15, %get3A_16] : memref<1x1x8192xf32, #tpu.memory_space<vmem>>, vector<1x1x8192xf32>
    %get3A_18 = vector.shape_cast %get3A_17 : vector<1x1x8192xf32> to vector<8192xf32>
    %broadcast_in_dim3A = arith.constant 0x7F800000 : f32
    %broadcast_in_dim3A_19 = vector.broadcast %broadcast_in_dim3A : f32 to vector<2048xf32>
    %broadcast_in_dim3A_20 = arith.constant 0.000000e+00 : f32
    %broadcast_in_dim3A_21 = vector.broadcast %broadcast_in_dim3A_20 : f32 to vector<2048xf32>
    %broadcast_in_dim3A_22 = arith.constant 0 : i32
    %broadcast_in_dim3A_23 = vector.broadcast %broadcast_in_dim3A_22 : i32 to vector<2048xi32>
    %slice3A = vector.extract_strided_slice %mul3A_8 {offsets = [0, 0], sizes = [2048, 32], strides = [1, 1]} : vector<8192x32xf32> to vector<2048x32xf32>
    %dot_general3A = arith.constant dense<0.000000e+00> : vector<2048x2048xf32>
    %dot_general3A_24 = tpu.matmul %slice3A, %get3A_3, %dot_general3A {dimension_numbers = #tpu.dot_dimension_numbers<[1], [0], [0], [1], [0, 0, 1, 1], [], []>, transpose_lhs_hint = false} : vector<2048x32xf32>, vector<32x2048xf32>, vector<2048x2048xf32> -> vector<2048x2048xf32>
    %broadcast_in_dim3A_25 = vector.shape_cast %get3A_13 : vector<2048xf32> to vector<1x2048xf32>
    %sub3A = vector.broadcast %broadcast_in_dim3A_25 : vector<1x2048xf32> to vector<2048x2048xf32>
    %sub3A_26 = arith.subf %sub3A, %dot_general3A_24 : vector<2048x2048xf32>
    %slice3A_27 = vector.extract_strided_slice %get3A_18 {offsets = [0], sizes = [2048], strides = [1]} : vector<8192xf32> to vector<2048xf32>
    %broadcast_in_dim3A_28 = vector.shape_cast %slice3A_27 : vector<2048xf32> to vector<2048x1xf32>
    %add3A = vector.broadcast %broadcast_in_dim3A_28 : vector<2048x1xf32> to vector<2048x2048xf32>
    %add3A_29 = arith.addf %sub3A_26, %add3A : vector<2048x2048xf32>
    %reduce_min3A = arith.constant dense<0x7F800000> : vector<2048xf32>
    %reduce_min3A_30 = vector.multi_reduction <minimumf>, %add3A_29, %reduce_min3A [0] : vector<2048x2048xf32> to vector<2048xf32>
    %argmin3A = tpu.reduce_index %add3A_29 {axis = 0 : i32, kind = #tpu.reduction_kind<arg_min>} : vector<2048x2048xf32> -> vector<2048xi32>
    %lt3A = arith.cmpf olt, %reduce_min3A_30, %broadcast_in_dim3A_19 : vector<2048xf32>
    %add3A_31 = arith.constant 0 : i32
    %add3A_32 = vector.broadcast %add3A_31 : i32 to vector<2048xi32>
    %add3A_33 = arith.addi %argmin3A, %add3A_32 : vector<2048xi32>
    %select_n3A = arith.select %lt3A, %add3A_33, %broadcast_in_dim3A_23 : vector<2048xi1>, vector<2048xi32>
    %select_n3A_34 = arith.select %lt3A, %reduce_min3A_30, %broadcast_in_dim3A_21 : vector<2048xi1>, vector<2048xf32>
    %select_n3A_35 = arith.select %lt3A, %reduce_min3A_30, %broadcast_in_dim3A_19 : vector<2048xi1>, vector<2048xf32>
    %convert_element_type3A = arith.truncf %select_n3A_35 : vector<2048xf32> to vector<2048xbf16>
    %convert_element_type3A_36 = arith.extf %convert_element_type3A : vector<2048xbf16> to vector<2048xf32>
    %slice3A_37 = vector.extract_strided_slice %mul3A_8 {offsets = [2048, 0], sizes = [2048, 32], strides = [1, 1]} : vector<8192x32xf32> to vector<2048x32xf32>
    %dot_general3A_38 = arith.constant dense<0.000000e+00> : vector<2048x2048xf32>
    %dot_general3A_39 = tpu.matmul %slice3A_37, %get3A_3, %dot_general3A_38 {dimension_numbers = #tpu.dot_dimension_numbers<[1], [0], [0], [1], [0, 0, 1, 1], [], []>, transpose_lhs_hint = false} : vector<2048x32xf32>, vector<32x2048xf32>, vector<2048x2048xf32> -> vector<2048x2048xf32>
    %broadcast_in_dim3A_40 = vector.shape_cast %get3A_13 : vector<2048xf32> to vector<1x2048xf32>
    %sub3A_41 = vector.broadcast %broadcast_in_dim3A_40 : vector<1x2048xf32> to vector<2048x2048xf32>
    %sub3A_42 = arith.subf %sub3A_41, %dot_general3A_39 : vector<2048x2048xf32>
    %slice3A_43 = vector.extract_strided_slice %get3A_18 {offsets = [2048], sizes = [2048], strides = [1]} : vector<8192xf32> to vector<2048xf32>
    %broadcast_in_dim3A_44 = vector.shape_cast %slice3A_43 : vector<2048xf32> to vector<2048x1xf32>
    %add3A_45 = vector.broadcast %broadcast_in_dim3A_44 : vector<2048x1xf32> to vector<2048x2048xf32>
    %add3A_46 = arith.addf %sub3A_42, %add3A_45 : vector<2048x2048xf32>
    %reduce_min3A_47 = arith.constant dense<0x7F800000> : vector<2048xf32>
    %reduce_min3A_48 = vector.multi_reduction <minimumf>, %add3A_46, %reduce_min3A_47 [0] : vector<2048x2048xf32> to vector<2048xf32>
    %argmin3A_49 = tpu.reduce_index %add3A_46 {axis = 0 : i32, kind = #tpu.reduction_kind<arg_min>} : vector<2048x2048xf32> -> vector<2048xi32>
    %lt3A_50 = arith.cmpf olt, %reduce_min3A_48, %convert_element_type3A_36 : vector<2048xf32>
    %add3A_51 = arith.constant 2048 : i32
    %add3A_52 = vector.broadcast %add3A_51 : i32 to vector<2048xi32>
    %add3A_53 = arith.addi %argmin3A_49, %add3A_52 : vector<2048xi32>
    %select_n3A_54 = arith.select %lt3A_50, %add3A_53, %select_n3A : vector<2048xi1>, vector<2048xi32>
    %select_n3A_55 = arith.select %lt3A_50, %reduce_min3A_48, %select_n3A_34 : vector<2048xi1>, vector<2048xf32>
    %select_n3A_56 = arith.select %lt3A_50, %reduce_min3A_48, %convert_element_type3A_36 : vector<2048xi1>, vector<2048xf32>
    %convert_element_type3A_57 = arith.truncf %select_n3A_56 : vector<2048xf32> to vector<2048xbf16>
    %convert_element_type3A_58 = arith.extf %convert_element_type3A_57 : vector<2048xbf16> to vector<2048xf32>
    %slice3A_59 = vector.extract_strided_slice %mul3A_8 {offsets = [4096, 0], sizes = [2048, 32], strides = [1, 1]} : vector<8192x32xf32> to vector<2048x32xf32>
    %dot_general3A_60 = arith.constant dense<0.000000e+00> : vector<2048x2048xf32>
    %dot_general3A_61 = tpu.matmul %slice3A_59, %get3A_3, %dot_general3A_60 {dimension_numbers = #tpu.dot_dimension_numbers<[1], [0], [0], [1], [0, 0, 1, 1], [], []>, transpose_lhs_hint = false} : vector<2048x32xf32>, vector<32x2048xf32>, vector<2048x2048xf32> -> vector<2048x2048xf32>
    %broadcast_in_dim3A_62 = vector.shape_cast %get3A_13 : vector<2048xf32> to vector<1x2048xf32>
    %sub3A_63 = vector.broadcast %broadcast_in_dim3A_62 : vector<1x2048xf32> to vector<2048x2048xf32>
    %sub3A_64 = arith.subf %sub3A_63, %dot_general3A_61 : vector<2048x2048xf32>
    %slice3A_65 = vector.extract_strided_slice %get3A_18 {offsets = [4096], sizes = [2048], strides = [1]} : vector<8192xf32> to vector<2048xf32>
    %broadcast_in_dim3A_66 = vector.shape_cast %slice3A_65 : vector<2048xf32> to vector<2048x1xf32>
    %add3A_67 = vector.broadcast %broadcast_in_dim3A_66 : vector<2048x1xf32> to vector<2048x2048xf32>
    %add3A_68 = arith.addf %sub3A_64, %add3A_67 : vector<2048x2048xf32>
    %reduce_min3A_69 = arith.constant dense<0x7F800000> : vector<2048xf32>
    %reduce_min3A_70 = vector.multi_reduction <minimumf>, %add3A_68, %reduce_min3A_69 [0] : vector<2048x2048xf32> to vector<2048xf32>
    %argmin3A_71 = tpu.reduce_index %add3A_68 {axis = 0 : i32, kind = #tpu.reduction_kind<arg_min>} : vector<2048x2048xf32> -> vector<2048xi32>
    %lt3A_72 = arith.cmpf olt, %reduce_min3A_70, %convert_element_type3A_58 : vector<2048xf32>
    %add3A_73 = arith.constant 4096 : i32
    %add3A_74 = vector.broadcast %add3A_73 : i32 to vector<2048xi32>
    %add3A_75 = arith.addi %argmin3A_71, %add3A_74 : vector<2048xi32>
    %select_n3A_76 = arith.select %lt3A_72, %add3A_75, %select_n3A_54 : vector<2048xi1>, vector<2048xi32>
    %select_n3A_77 = arith.select %lt3A_72, %reduce_min3A_70, %select_n3A_55 : vector<2048xi1>, vector<2048xf32>
    %select_n3A_78 = arith.select %lt3A_72, %reduce_min3A_70, %convert_element_type3A_58 : vector<2048xi1>, vector<2048xf32>
    %convert_element_type3A_79 = arith.truncf %select_n3A_78 : vector<2048xf32> to vector<2048xbf16>
    %convert_element_type3A_80 = arith.extf %convert_element_type3A_79 : vector<2048xbf16> to vector<2048xf32>
    %slice3A_81 = vector.extract_strided_slice %mul3A_8 {offsets = [6144, 0], sizes = [2048, 32], strides = [1, 1]} : vector<8192x32xf32> to vector<2048x32xf32>
    %dot_general3A_82 = arith.constant dense<0.000000e+00> : vector<2048x2048xf32>
    %dot_general3A_83 = tpu.matmul %slice3A_81, %get3A_3, %dot_general3A_82 {dimension_numbers = #tpu.dot_dimension_numbers<[1], [0], [0], [1], [0, 0, 1, 1], [], []>, transpose_lhs_hint = false} : vector<2048x32xf32>, vector<32x2048xf32>, vector<2048x2048xf32> -> vector<2048x2048xf32>
    %broadcast_in_dim3A_84 = vector.shape_cast %get3A_13 : vector<2048xf32> to vector<1x2048xf32>
    %sub3A_85 = vector.broadcast %broadcast_in_dim3A_84 : vector<1x2048xf32> to vector<2048x2048xf32>
    %sub3A_86 = arith.subf %sub3A_85, %dot_general3A_83 : vector<2048x2048xf32>
    %slice3A_87 = vector.extract_strided_slice %get3A_18 {offsets = [6144], sizes = [2048], strides = [1]} : vector<8192xf32> to vector<2048xf32>
    %broadcast_in_dim3A_88 = vector.shape_cast %slice3A_87 : vector<2048xf32> to vector<2048x1xf32>
    %add3A_89 = vector.broadcast %broadcast_in_dim3A_88 : vector<2048x1xf32> to vector<2048x2048xf32>
    %add3A_90 = arith.addf %sub3A_86, %add3A_89 : vector<2048x2048xf32>
    %reduce_min3A_91 = arith.constant dense<0x7F800000> : vector<2048xf32>
    %reduce_min3A_92 = vector.multi_reduction <minimumf>, %add3A_90, %reduce_min3A_91 [0] : vector<2048x2048xf32> to vector<2048xf32>
    %argmin3A_93 = tpu.reduce_index %add3A_90 {axis = 0 : i32, kind = #tpu.reduction_kind<arg_min>} : vector<2048x2048xf32> -> vector<2048xi32>
    %lt3A_94 = arith.cmpf olt, %reduce_min3A_92, %convert_element_type3A_80 : vector<2048xf32>
    %add3A_95 = arith.constant 6144 : i32
    %add3A_96 = vector.broadcast %add3A_95 : i32 to vector<2048xi32>
    %add3A_97 = arith.addi %argmin3A_93, %add3A_96 : vector<2048xi32>
    %select_n3A_98 = arith.select %lt3A_94, %add3A_97, %select_n3A_76 : vector<2048xi1>, vector<2048xi32>
    %select_n3A_99 = arith.select %lt3A_94, %reduce_min3A_92, %select_n3A_77 : vector<2048xi1>, vector<2048xf32>
    %swap3A = arith.constant 0 : index
    %swap3A_100 = arith.constant 0 : index
    %swap3A_101 = arith.constant 0 : index
    %swap3A_102 = vector.load %arg6[%swap3A, %swap3A_100, %swap3A_101] : memref<1x1x2048xi32, #tpu.memory_space<vmem>>, vector<1x1x2048xi32>
    %swap3A_103 = vector.shape_cast %swap3A_102 : vector<1x1x2048xi32> to vector<2048xi32>
    %swap3A_104 = vector.shape_cast %select_n3A_98 : vector<2048xi32> to vector<1x1x2048xi32>
    tpu.vector_store %arg6[%swap3A, %swap3A_100, %swap3A_101], %swap3A_104 {strides = array<i32>} : memref<1x1x2048xi32, #tpu.memory_space<vmem>>, vector<1x1x2048xi32>,
    %eq3A = arith.constant 0 : i32
    %eq3A_105 = arith.cmpi eq, %arg0, %eq3A : i32
    %eq3A_106 = arith.constant 0 : i32
    %eq3A_107 = arith.cmpi eq, %arg1, %eq3A_106 : i32
    %and3A = arith.andi %eq3A_105, %eq3A_107 : i1
    %convert_element_type3A_108 = arith.extui %and3A : i1 to i32
    %cond3A = arith.constant 0 : i32
    %cond3A_109 = arith.cmpi ne, %convert_element_type3A_108, %cond3A : i32
    scf.if %cond3A_109 {
      %broadcast_in_dim3A_122 = arith.constant 0.000000e+00 : f32
      %broadcast_in_dim3A_123 = vector.broadcast %broadcast_in_dim3A_122 : f32 to vector<1x1xf32>
      %swap3A_124 = arith.constant 0 : index
      %swap3A_125 = arith.constant 0 : index
      %swap3A_126 = vector.load %arg7[%swap3A_124, %swap3A_125] : memref<1x1xf32, #tpu.memory_space<vmem>>, vector<1x1xf32>
      tpu.vector_store %arg7[%swap3A_124, %swap3A_125], %broadcast_in_dim3A_123 {strides = array<i32>} : memref<1x1xf32, #tpu.memory_space<vmem>>, vector<1x1xf32>,
    } else {
    }
    %get3A_110 = arith.constant 0 : index
    %get3A_111 = arith.constant 0 : index
    %get3A_112 = vector.load %arg7[%get3A_110, %get3A_111] : memref<1x1xf32, #tpu.memory_space<vmem>>, vector<1x1xf32>
    %reduce_sum3A = vector.shape_cast %select_n3A_99 : vector<2048xf32> to vector<1x2048xf32>
    %reduce_sum3A_113 = arith.constant dense<0.000000e+00> : vector<1xf32>
    %reduce_sum3A_114 = vector.multi_reduction <add>, %reduce_sum3A, %reduce_sum3A_113 [1] : vector<1x2048xf32> to vector<1xf32>
    %reduce_sum3A_115 = vector.shape_cast %reduce_sum3A_114 : vector<1xf32> to vector<1x1xf32>
    %reduce_sum3A_116 = vector.extract %reduce_sum3A_115[0, 0] : f32 from vector<1x1xf32>
    %broadcast_in_dim3A_117 = vector.broadcast %reduce_sum3A_116 : f32 to vector<1x1xf32>
    %add3A_118 = arith.addf %get3A_112, %broadcast_in_dim3A_117 : vector<1x1xf32>
    %swap3A_119 = arith.constant 0 : index
    %swap3A_120 = arith.constant 0 : index
    %swap3A_121 = vector.load %arg7[%swap3A_119, %swap3A_120] : memref<1x1xf32, #tpu.memory_space<vmem>>, vector<1x1xf32>
    tpu.vector_store %arg7[%swap3A_119, %swap3A_120], %add3A_118 {strides = array<i32>} : memref<1x1xf32, #tpu.memory_space<vmem>>, vector<1x1xf32>,
    return
  }
  func.func @transform_0(%arg0: i32, %arg1: i32) -> (i32, i32, i32) {
    %c0_i32 = arith.constant 0 : i32
    %c0_i32_0 = arith.constant 0 : i32
    return %arg0, %c0_i32, %arg1 : i32, i32, i32
  }
  func.func @transform_1(%arg0: i32, %arg1: i32) -> (i32, i32) {
    %c0_i32 = arith.constant 0 : i32
    %c0_i32_0 = arith.constant 0 : i32
    %c0_i32_1 = arith.constant 0 : i32
    return %c0_i32, %c0_i32_0 : i32, i32
  }
  func.func @transform_2(%arg0: i32, %arg1: i32) -> (i32, i32, i32) {
    %c0_i32 = arith.constant 0 : i32
    %c0_i32_0 = arith.constant 0 : i32
    return %arg0, %c0_i32, %arg1 : i32, i32, i32
  }
  func.func @transform_3(%arg0: i32, %arg1: i32) -> (i32, i32, i32) {
    %c0_i32 = arith.constant 0 : i32
    %c0_i32_0 = arith.constant 0 : i32
    %c0_i32_1 = arith.constant 0 : i32
    %c0_i32_2 = arith.constant 0 : i32
    return %c0_i32, %c0_i32_0, %c0_i32_1 : i32, i32, i32
  }
  func.func @transform_4(%arg0: i32, %arg1: i32) -> (i32, i32, i32) {
    %c0_i32 = arith.constant 0 : i32
    %c0_i32_0 = arith.constant 0 : i32
    return %arg0, %c0_i32, %arg1 : i32, i32, i32
  }
  func.func @transform_5(%arg0: i32, %arg1: i32) -> (i32, i32) {
    %c0_i32 = arith.constant 0 : i32
    %c0_i32_0 = arith.constant 0 : i32
    %c0_i32_1 = arith.constant 0 : i32
    return %c0_i32, %c0_i32_0 : i32, i32
  }
}

</mosaic_0001>

<sc_bundles>
// kernel: kernel.6.cloned.1.call-start
scs
__scs_entry_jumppad:
0x0: {  	(pc) =	sbr.rel $0x88, $3  }
0x1: {  	(tag) =	ssettag $0x0;
	lr =	simm.s32 $0x1  }
0x2: {  	[smem:$0x3F9F] =	sst lr;
	_ =	strace $0xD0000000  }
0x3: {  	_ = 	snop  }
0x4: {  	_ = 	snop  }
0x5: {  	_ = 	snop  }
0x6: {  	_ = 	snop  }
0x7: {  	_ = 	snop  }
__scs_overlays_trampoline_lowered:
0x8: {  	[smem:$0x3FAE] =	sst s0  }
0x9: {  	[smem:$0x3FAF] =	sst s1  }
0xa: {  	[smem:$0x3FB0] =	sst s2  }
0xb: {  	[smem:$0x3FB1] =	sst s3  }
0xc: {  	[smem:$0x3FB2] =	sst s4  }
0xd: {  	[smem:$0x3FB3] =	sst s5  }
0xe: {  	[smem:$0x3FB4] =	sst s6  }
0xf: {  	[smem:$0x3FB5] =	sst s7  }
0x10: {  	[smem:$0x3FB6] =	sst s8  }
0x11: {  	[smem:$0x3FB7] =	sst s9;
	s0 =	simm.s32 @!p0 $0x0  }
0x12: {  	s1 =	sld [smem:$0x3F9D];
	s0 =	simm.s32 @p0 $0x1  }
0x13: {  	[smem:$0x3FB8] =	sst s0;
	s0 =	simm.s32 @!p1 $0x0  }
0x14: {  	s2 =	sld [smem:$0x3F9C];
	s0 =	simm.s32 @p1 $0x1  }
0x15: {  	[smem:$0x3FB9] =	sst s0;
	s0 =	simm.s32 @!p2 $0x0  }
0x16: {  	s3 =	sld [smem:$0x3FDB];
	s0 =	simm.s32 @p2 $0x1  }
0x17: {  	s4 =	simm.s32 $0x1BF5;
	[smem:$0x3FBB] =	sst s0  }
0x18: {  	s0 =	sld [smem:$0x3F9E];
	_ =	swait.ge [sflag:s4], $0x0  }
0x19: {  	s7 =	sld [smem:$0x3F9F]  }
0x1a: {  	s8 =	sadd.s32 $0xFFFFE003, lr  }
0x1b: {  	s9 =	sadd.s32 $0xFFFFFEF7, lr;
	s5 =	simm.s32 $0xFFFFFFFF;
	p2 =	slt.u32 s8, $0xFFFFF086  }
0x1c: {  	p1 =	slt.u32 s9, $0xF7A;
	s5 =	simm.s32 @!p2 $0x0  }
0x1d: {  	s5 =	simm.s32 @p1 $0x1;
	p0 =	seq.s32 s7, s2  }
0x1e: {  	s7 =	smul.u32 @!p0 $0xF7A, s2;
	p2 =	seq.s32 @!p0 s5, $0x0  }
0x1f: {  	s9 =	smul.u32 $0xF7A, s1;
	s8 =	simm.s32 @!p0 $0x1BF5;
	p2 =	por !p2, p0  }
0x20: {  	[sflag:s8] =	ssyncset.s32 @!p0 $0xFFFFF086;
	s6 =	sadd.s32 @!p0 s3, s7;
	s7 =	simm.s32 @!p0 $0x108  }
0x21: {  	s3 =	sadd.s32 s3, s9;
	s6 =	sadd.s32 @!p0 $0x88, s6;
	s7 =	simm.s32 @p2 $0x1082  }
0x22: {  	[simem:s7], [sflag:s8] =	dma.local @!p0 [hbm:s6], $0xF7A  }
0x23: {  	s9 =	sor.u32 $0xD0000000, s2;
	s6 =	simm.s32 $0x108;
	_ =	swait.ge @!p0 [sflag:s8], $0x0  }
0x24: {  	s3 =	sadd.s32 $0x88, s3;
	s6 =	simm.s32 @!p1 $0x1082;
	[sflag:s4] =	ssyncset.s32 $0xFFFFF086  }
0x25: {  	[simem:s6], [sflag:s4] =	dma.local [hbm:s3], $0xF7A  }
0x26: {  	[smem:$0x3F9F] =	sst s1;
	(tag) =	ssettag s2;
	_ =	strace s9  }
0x27: {  	s1 =	sld [smem:$0x3FAF]  }
0x28: {  	s2 =	sld [smem:$0x3FB0]  }
0x29: {  	s4 =	sld [smem:$0x3FB2]  }
0x2a: {  	p0 =	seq.s32 s5, $0x0;
	s5 =	sld [smem:$0x3FB3]  }
0x2b: {  	s6 =	sld [smem:$0x3FB4]  }
0x2c: {  	s7 =	sld [smem:$0x3FB5]  }
0x2d: {  	s3 =	simm.s32 $0x108;
	s8 =	sld [smem:$0x3FB6]  }
0x2e: {  	s3 =	simm.s32 @!p0 $0x1082;
	s9 =	sld [smem:$0x3FB7]  }
0x2f: {  	lr =	sadd.s32 s0, s3;
	s0 =	sld [smem:$0x3FAE]  }
0x30: {  	s3 =	sld [smem:$0x3FB1]  }
0x31: {  	[smem:$0x3FBA] =	sst s10  }
0x32: {  	s10 =	sld [smem:$0x3FB8];
	_ =	sdelay $0x3  }
0x33: {  	p0 =	seq.s32 s10, $0x1;
	s10 =	sld [smem:$0x3FBA];
	_ =	sdelay $0x3  }
0x34: {  	[smem:$0x3FBA] =	sst s10  }
0x35: {  	s10 =	sld [smem:$0x3FB9];
	_ =	sdelay $0x3  }
0x36: {  	p1 =	seq.s32 s10, $0x1;
	s10 =	sld [smem:$0x3FBA];
	_ =	sdelay $0x3  }
0x37: {  	[smem:$0x3FBA] =	sst s10  }
0x38: {  	s10 =	sld [smem:$0x3FBB]  }
0x39: {  	_ = 	snop;
	(pc) =	sbr.ind lr, $3  }
0x3a: {  	_ = 	snop  }
0x3b: {  	_ = 	snop  }
0x3c: {  	p2 =	seq.s32 s10, $0x1;
	s10 =	sld [smem:$0x3FBA]  }
0x3d: {  	_ =	shalt  }
0x3e: {  	_ =	shalt  }
0x3f: {  	_ =	shalt  }
0x40: {  	_ =	shalt  }
0x41: {  	_ =	shalt  }
0x42: {  	_ =	shalt  }
0x43: {  	_ =	shalt  }
0x44: {  	_ =	shalt  }
0x45: {  	_ =	shalt  }
0x46: {  	_ =	shalt  }
0x47: {  	_ =	shalt  }
0x48: {  	_ =	shalt  }
0x49: {  	_ =	shalt  }
0x4a: {  	_ =	shalt  }
0x4b: {  	_ =	shalt  }
0x4c: {  	_ =	shalt  }
0x4d: {  	_ =	shalt  }
0x4e: {  	_ =	shalt  }
0x4f: {  	_ =	shalt  }
0x50: {  	_ =	shalt  }
0x51: {  	_ =	shalt  }
0x52: {  	_ =	shalt  }
0x53: {  	_ =	shalt  }
0x54: {  	_ =	shalt  }
0x55: {  	_ =	shalt  }
0x56: {  	_ =	shalt  }
0x57: {  	_ =	shalt  }
0x58: {  	_ =	shalt  }
0x59: {  	_ =	shalt  }
0x5a: {  	_ =	shalt  }
0x5b: {  	_ =	shalt  }
0x5c: {  	_ =	shalt  }
0x5d: {  	_ =	shalt  }
0x5e: {  	_ =	shalt  }
0x5f: {  	_ =	shalt  }
0x60: {  	_ =	shalt  }
0x61: {  	_ =	shalt  }
0x62: {  	_ =	shalt  }
0x63: {  	_ =	shalt  }
0x64: {  	_ =	shalt  }
0x65: {  	_ =	shalt  }
0x66: {  	_ =	shalt  }
0x67: {  	_ =	shalt  }
0x68: {  	_ =	shalt  }
0x69: {  	_ =	shalt  }
0x6a: {  	_ =	shalt  }
0x6b: {  	_ =	shalt  }
0x6c: {  	_ =	shalt  }
0x6d: {  	_ =	shalt  }
0x6e: {  	_ =	shalt  }
0x6f: {  	_ =	shalt  }
0x70: {  	_ =	shalt  }
0x71: {  	_ =	shalt  }
0x72: {  	_ =	shalt  }
0x73: {  	_ =	shalt  }
0x74: {  	_ =	shalt  }
0x75: {  	_ =	shalt  }
0x76: {  	_ =	shalt  }
0x77: {  	_ =	shalt  }
0x78: {  	_ =	shalt  }
0x79: {  	_ =	shalt  }
0x7a: {  	_ =	shalt  }
0x7b: {  	_ =	shalt  }
0x7c: {  	_ =	shalt  }
0x7d: {  	_ =	shalt  }
0x7e: {  	_ =	shalt  }
0x7f: {  	_ =	shalt  }
0x80: {  	_ =	shalt  }
0x81: {  	_ =	shalt  }
0x82: {  	_ =	shalt  }
0x83: {  	_ =	shalt  }
0x84: {  	_ =	shalt  }
0x85: {  	_ =	shalt  }
0x86: {  	_ =	shalt  }
0x87: {  	_ =	shalt  }
.Lfunc_end0:
.L_simem_size_0:
called_computation_lowered:
.L_overlay_start_0:
0x88: {  	s2 =	sld [smem:$0x3FD9]  }
0x89: {  	s3 =	sld [smem:$0x3FFE];
	_ =	sdelay $0x1  }
0x8a: {  	s1 =	srdreg.scid  }
0x8b: {  	s0 =	sand.u32 $0x1, s1  }
0x8c: {  	s15 =	sshll.u32 s0, $0xA;
	s2 =	sadd.s32 s3, s2  }
0x8d: {  	s2 =	sadd.s32 s2, s15  }
0x8e: {  	[smem:$0x3FC6] =	sst s2  }
0x8f: {  	_ = 	snop  }
0x90: {  	s2 =	sld [smem:$0x3FD0];
	_ =	sdelay $0x2  }
0x91: {  	s16 =	simm.s32 $0xB;
	s4 =	simm.s32 $0x10  }
0x92: {  	[smem:s4], [sflag:s16] =	dma.local [hbm:s2], $0x1  }
0x93: {  	_ =	swait.eq [sflag:s16], $0x1  }
0x94: {  	[sflag:s16] =	ssyncset.done $0x0  }
0x95: {  	[sflag:s16] =	ssyncadd.s32 $0xFFFFFFFF  }
0x96: {  	s17 =	sld [smem:$0x11];
	(tm) =	ssettm $0x1  }
0x97: {  	s18 =	sld [smem:$0x3FFB];
	_ =	sdelay $0x3  }
0x98: {  	_ =	strace s18  }
0x99: {  	s2 =	sld [smem:$0x3FFC];
	_ =	sdelay $0x3  }
0x9a: {  	_ =	strace s2  }
0x9b: {  	s2 =	sld [smem:$0x3FFD];
	_ =	sdelay $0x3  }
0x9c: {  	_ =	strace s2  }
0x9d: {  	_ =	strace $0x8FFFFFFF  }
0x9e: {  	s19 =	sld [smem:$0x3FDB];
	_ =	sdelay $0x1  }
0x9f: {  	s20 =	simm.s32 $_scs_section_size  }
0xa0: {  	s5 =	simm.s32 $_size__tile_overlayer_lowered;
	s6 =	simm.s32 $_tile_overlayer_lowered  }
0xa1: {  	s7 =	simm.s32 $0x1BFF;
	s21 =	sshll.u32 s6, $0x1;
	s4 =	sadd.s32 s20, s19  }
0xa2: {  	s22 =	simm.s32 $0x0;
	s5 =	sshll.u32 s5, $0x1;
	s6 =	sadd.s32 s21, s4  }
0xa3: {  	[timem:s22], [sflag:s7] =	dma.local [hbm:s6], s5  }
0xa4: {  	_ =	swait.ge [sflag:s7], s5  }
0xa5: {  	s5 =	ssub.s32 $0x0, s5;
	[sflag:s7] =	ssyncset.done $0x0  }
0xa6: {  	[sflag:s7] =	ssyncadd.s32 s5;
	_ =	sdelay $0x1  }
0xa7: {  	s23 =	simm.s32 $0x1B8B  }
0xa8: {  	_ =	swait.ge [sflag:s23], $0x1  }
0xa9: {  	[sflag:s23] =	ssyncset.done $0x0  }
0xaa: {  	[sflag:s23] =	ssyncadd.s32 $0xFFFFFFFF  }
0xab: {  	s5 =	sld [smem:$0x0]  }
0xac: {  	s6 =	sand.u32 $0xFFFFFFFE, s1  }
0xad: {  	p0 =	sne.s32 s1, s6  }
0xae: {  	s6 =	sshll.u32 @p0 s6, $0xE  }
0xaf: {  	s6 =	sadd.s32 @p0 $0x11B8D, s6;
	s7 =	sshll.u32 @p0 s5, $0x11  }
0xb0: {  	s6 =	sor.u32 @p0 s7, s6  }
0xb1: {  	[sflag:s6] =	ssyncadd.remote.s32 @p0 $0x1;
	_ =	sdelay $0x1  }
0xb2: {  	s6 =	simm.s32 @p0 $0x1B8D  }
0xb3: {  	_ =	swait.eq @p0 [sflag:s6], $0x1  }
0xb4: {  	[sflag:s6] =	ssyncadd.s32 @p0 $0xFFFFFFFF  }
0xb5: {  	s7 =	sshll.u32 @!p0 s1, $0xE  }
0xb6: {  	s7 =	sor.u32 @!p0 $0x4000, s7;
	s6 =	simm.s32 @!p0 $0x1B8D  }
0xb7: {  	s5 =	sshll.u32 @!p0 s5, $0x11;
	s7 =	sadd.s32 @!p0 $0x11B8D, s7;
	_ =	swait.eq @!p0 [sflag:s6], $0x1  }
0xb8: {  	s5 =	sor.u32 @!p0 s5, s7;
	[sflag:s6] =	ssyncadd.s32 @!p0 $0xFFFFFFFF  }
0xb9: {  	s25 =	simm.s32 $0x1B8E;
	s24 =	sld [smem:$0x3FFE];
	[sflag:s5] =	ssyncadd.remote.s32 @!p0 $0x1  }
0xba: {  	s26 =	simm.s32 $execute0_lowered;
	[smem:$0x3FD2] =	sst s25  }
0xbb: {  	s6 =	sshll.u32 s26, $0x1;
	_ =	strace $0x80000049;
	[dreg:$0x1] =	wrdreg $0xFFFFFFFF  }
0xbc: {  	s28 =	simm.s32 $_size_execute0_lowered;
	s4 =	sadd.s32 s4, s6;
	[dreg:$0x0] =	wrdreg $0x0  }
0xbd: {  	s6 =	sshll.u32 s28, $0x1;
	[dreg:$0x2] =	wrdreg s4  }
0xbe: {  	[dreg:$0x3] =	wrdreg s6  }
0xbf: {  	[dreg:$0x4] =	wrdreg $0xC0  }
0xc0: {  	_ =	task [dreg:s22], $0x5FFFF  }
0xc1: {  	[dreg:$0x1] =	wrdreg $0xFFFFFFFF  }
0xc2: {  	[dreg:$0x0] =	wrdreg $0x60  }
0xc3: {  	[dreg:$0x2] =	wrdreg s17  }
0xc4: {  	[dreg:$0x3] =	wrdreg s24  }
0xc5: {  	[dreg:$0x4] =	wrdreg $0x9  }
0xc6: {  	_ =	task.clear_ibuf [dreg:s22], $0x5FFFF;
	_ =	strace $0x90000049  }
0xc7: {  	s29 =	simm.s32 $0x9;
	_ =	strace $0x8000004B  }
0xc8: {  	_ =	swait.ge [sflag:s29], $0x1  }
0xc9: {  	[sflag:s29] =	ssyncadd.s32 $0xFFFFFFFF  }
0xca: {  	_ =	strace $0x9000004B  }
0xcb: {  	_ =	sfence  }
0xcc: {  	s30 =	sld [smem:$0x0];
	_ =	sdelay $0x2  }
0xcd: {  	s31 =	sshll.u32 s1, $0xD;
	s1 =	sshrl.u32 s1, $0x2  }
0xce: {  	s4 =	sand.u32 $0x4000, s31;
	s1 =	sadd.s32 s1, s30  }
0xcf: {  	s0 =	sor.u32 s4, s0;
	s1 =	sshll.u32 s1, $0x11  }
0xd0: {  	s0 =	sor.u32 s1, s0  }
0xd1: {  	s0 =	sadd.s32 $0x8F2B, s0  }
0xd2: {  	[sflag:s0] =	ssyncadd.remote.s32 $0x1  }
0xd3: {  	_ =	sfence.sel $0xFFFF  }
0xd4: {  	[dreg:$0x0] =	wrdreg $0xFFFFFFFF;
	(pc) =	sbr.abs _section_cstart, $3  }
0xd5: {  	[dreg:$0x1] =	wrdreg $0xFFFFFFFF  }
0xd6: {  	_ =	task.clear_ibuf [dreg:s22], $0x2FFFF;
	_ =	strace $0x9FFFFFFF  }
0xd7: {  	(tm) =	ssettm $0x7FFFFFFF  }
tec
execute0_lowered:
.L_overlay_start_1:
0x0: {  	(tag) =	ssettag $0x1  }
0x1: {  	s1 =	srdreg.scid  }
0x2: {  	s0 =	stileid.u32;
	s6 =	sand.u32 $0x1, s1  }
0x3: {  	s2 =	rddreg [dreg:$0x0];
	s30 =	sshll.u32 s0, $0x8;
	s3 =	sshll.u32 s6, $0x7  }
0x4: {  	s8 =	rddreg [dreg:$0x1];
	s7 =	simm.s32 $0x1;
	s9 =	sor.u32 s3, s30  }
0x5: {  	s1 =	rddreg [dreg:$0x2];
	s3 =	simm.s32 $0x0;
	s4 =	sshrl.u32 s9, $0x3  }
0x6: {  	s10 =	ssub.s32 $0x2, s6;
	[smem:$0x7FF] =	sst s3;
	s4 =	sadd.s32 s4, s8  }
0x7: {  	_ =	strace $0x8000004A;
	s5 =	sadd.s32 $0x11000, s4;
	s4 =	simm.s32 $0x2  }
0x8: {  	[tilespmem:s3], [sflag:$0x2] =	stream.linear.gather [hbm4b:s5+s3], $0x80, $0x38;
	[tilespmem:$0x4080] =	vst v63  }
0x9: {  	s6 =	simm.s32 $0x80;
	s11 =	sshrl.u32 s10, $0x1;
	_ =	swait.ge [sflag:s4], $0x80  }
0xa: {  	s9 =	sshll.u32 s9, $0x4;
	s31 =	ssub.s32 s10, s11;
	[sflag:s4] =	ssyncset.done $0x0  }
0xb: {  	s8 =	sadd.s32 s9, s8;
	s9 =	smax.u32 s31, $0x1;
	[sflag:s4] =	ssyncadd.s32 $0xFFFFFF80  }
0xc: {  	[tilespmem:s6], [sflag:$0x1] =	stream.indirect.gather [hbm4b:s2+s6], $0x80, s3, s6, $0xb8;
	[tilespmem:$0x4080] =	vst v63  }
0xd: {  	p0 =	sne.s32 s9, $0x1;
	_ =	swait.ge [sflag:s7], $0x4000  }
.Ltmp0:
0xe: {  	[sflag:s7] =	ssyncset.done $0x0;
	(pc) =	sbr.rel @!p0 .LBB2_2-.Ltmp0, $4  }
0xf: {  	s8 =	sadd.s32 $0x11200, s8;
	[sflag:s7] =	ssyncadd.s32 $0xFFFFC000  }
0x10: {  	[hbm4b:s8+s3] =	stream.linear.scatter [tilespmem:s6], [sflag:$0x2], $0x4000, $0x38;
	[tilespmem:$0x4080] =	vst v63  }
0x11: {  	_ =	swait.ge [sflag:s4], $0x4000  }
0x12: {  	s9 =	sadd.s32 $0xFFFFFFFF, s9;
	[sflag:s4] =	ssyncset.done $0x0  }
.LBB2_1:
0x13: {  	p0 =	sne.s32 s9, $0x1;
	s9 =	sadd.s32 $0xFFFFFFFF, s9;
	[sflag:s4] =	ssyncadd.s32 $0xFFFFC000  }
0x14: {  	[tilespmem:s3], [sflag:$0x2] =	stream.linear.gather [hbm4b:s5+s3], $0x80, $0x38;
	[tilespmem:$0x4080] =	vst v63  }
0x15: {  	_ =	swait.ge [sflag:s4], $0x80  }
0x16: {  	[sflag:s4] =	ssyncset.done $0x0  }
0x17: {  	[sflag:s4] =	ssyncadd.s32 $0xFFFFFF80  }
0x18: {  	[tilespmem:s6], [sflag:$0x1] =	stream.indirect.gather [hbm4b:s2+s6], $0x80, s3, s6, $0xb8;
	[tilespmem:$0x4080] =	vst v63  }
0x19: {  	_ =	swait.ge [sflag:s7], $0x4000  }
.Ltmp1:
0x1a: {  	[sflag:s7] =	ssyncset.done $0x0;
	(pc) =	sbr.rel @p0 .LBB2_1-.Ltmp1, $4  }
0x1b: {  	[sflag:s7] =	ssyncadd.s32 $0xFFFFC000  }
0x1c: {  	[hbm4b:s8+s3] =	stream.linear.scatter [tilespmem:s6], [sflag:$0x2], $0x4000, $0x38;
	[tilespmem:$0x4080] =	vst v63  }
0x1d: {  	_ =	swait.ge [sflag:s4], $0x4000  }
0x1e: {  	[sflag:s4] =	ssyncset.done $0x0  }
.LBB2_2:
0x1f: {  	[sflag:s4] =	ssyncadd.s32 $0xFFFFC000  }
0x20: {  	_ =	sfence.sel $0x180000  }
0x21: {  	[bflag:$0x0] =	sbarrier.arrive $0xFFFF  }
0x22: {  	p0 =	sne.s32 s0, $0x0;
	_ =	strace $0x9000004A  }
0x23: {  	s0 =	sadd.s32 @!p0 $0x100000, s1;
	[bflag:$0x2] =	sbarrier.arrive $0xFFFF  }
0x24: {  	[sflag:s0] =	ssyncadd.tile.s32 @!p0 $0x1;
	_ =	shalt  }
.Lfunc_end2:
_tile_overlayer_lowered:
.L_overlay_start_2:
0x25: {  	(tag) =	ssettag $0x2  }
0x26: {  	s0 =	rddreg [dreg:$0x0];
	s2 =	stileid.u32  }
0x27: {  	s1 =	rddreg [dreg:$0x1];
	p0 =	sne.s32 s2, $0x0  }
0x28: {  	s3 =	rddreg [dreg:$0x2];
	[bflag:$0x3] =	sbarrier.arrive $0xFFFF;
	s2 =	simm.s32 @!p0 $0x1C02  }
0x29: {  	[timem:s3], [sflag:s2] =	dma.local @!p0 [hbm:s0], s1  }
0x2a: {  	s0 =	simm.s32 @!p0 $0x2  }
0x2b: {  	_ =	swait.ge @!p0 [sflag:s0], s1  }
0x2c: {  	s1 =	ssub.s32 @!p0 $0x0, s1;
	[sflag:s0] =	ssyncset.done @!p0 $0x0  }
0x2d: {  	[sflag:s0] =	ssyncadd.s32 @!p0 s1  }
0x2e: {  	[bflag:$0x3] =	sbarrier.arrive $0xFFFF  }
0x2f: {  	_ =	shalt  }

// kernel: kernel.9.cloned.1.call-start
scs
__scs_entry_jumppad:
0x0: {  	(pc) =	sbr.rel $0x88, $3  }
0x1: {  	(tag) =	ssettag $0x0;
	lr =	simm.s32 $0x1  }
0x2: {  	[smem:$0x3F9F] =	sst lr;
	_ =	strace $0xD0000000  }
0x3: {  	_ = 	snop  }
0x4: {  	_ = 	snop  }
0x5: {  	_ = 	snop  }
0x6: {  	_ = 	snop  }
0x7: {  	_ = 	snop  }
__scs_overlays_trampoline_lowered:
0x8: {  	[smem:$0x3FAE] =	sst s0  }
0x9: {  	[smem:$0x3FAF] =	sst s1  }
0xa: {  	[smem:$0x3FB0] =	sst s2  }
0xb: {  	[smem:$0x3FB1] =	sst s3  }
0xc: {  	[smem:$0x3FB2] =	sst s4  }
0xd: {  	[smem:$0x3FB3] =	sst s5  }
0xe: {  	[smem:$0x3FB4] =	sst s6  }
0xf: {  	[smem:$0x3FB5] =	sst s7  }
0x10: {  	[smem:$0x3FB6] =	sst s8  }
0x11: {  	[smem:$0x3FB7] =	sst s9;
	s0 =	simm.s32 @!p0 $0x0  }
0x12: {  	s1 =	sld [smem:$0x3F9D];
	s0 =	simm.s32 @p0 $0x1  }
0x13: {  	[smem:$0x3FB8] =	sst s0;
	s0 =	simm.s32 @!p1 $0x0  }
0x14: {  	s2 =	sld [smem:$0x3F9C];
	s0 =	simm.s32 @p1 $0x1  }
0x15: {  	[smem:$0x3FB9] =	sst s0;
	s0 =	simm.s32 @!p2 $0x0  }
0x16: {  	s3 =	sld [smem:$0x3FDB];
	s0 =	simm.s32 @p2 $0x1  }
0x17: {  	s4 =	simm.s32 $0x1BF5;
	[smem:$0x3FBB] =	sst s0  }
0x18: {  	s0 =	sld [smem:$0x3F9E];
	_ =	swait.ge [sflag:s4], $0x0  }
0x19: {  	s7 =	sld [smem:$0x3F9F]  }
0x1a: {  	s8 =	sadd.s32 $0xFFFFE003, lr  }
0x1b: {  	s9 =	sadd.s32 $0xFFFFFEF7, lr;
	s5 =	simm.s32 $0xFFFFFFFF;
	p2 =	slt.u32 s8, $0xFFFFF086  }
0x1c: {  	p1 =	slt.u32 s9, $0xF7A;
	s5 =	simm.s32 @!p2 $0x0  }
0x1d: {  	s5 =	simm.s32 @p1 $0x1;
	p0 =	seq.s32 s7, s2  }
0x1e: {  	s7 =	smul.u32 @!p0 $0xF7A, s2;
	p2 =	seq.s32 @!p0 s5, $0x0  }
0x1f: {  	s9 =	smul.u32 $0xF7A, s1;
	s8 =	simm.s32 @!p0 $0x1BF5;
	p2 =	por !p2, p0  }
0x20: {  	[sflag:s8] =	ssyncset.s32 @!p0 $0xFFFFF086;
	s6 =	sadd.s32 @!p0 s3, s7;
	s7 =	simm.s32 @!p0 $0x108  }
0x21: {  	s3 =	sadd.s32 s3, s9;
	s6 =	sadd.s32 @!p0 $0x88, s6;
	s7 =	simm.s32 @p2 $0x1082  }
0x22: {  	[simem:s7], [sflag:s8] =	dma.local @!p0 [hbm:s6], $0xF7A  }
0x23: {  	s9 =	sor.u32 $0xD0000000, s2;
	s6 =	simm.s32 $0x108;
	_ =	swait.ge @!p0 [sflag:s8], $0x0  }
0x24: {  	s3 =	sadd.s32 $0x88, s3;
	s6 =	simm.s32 @!p1 $0x1082;
	[sflag:s4] =	ssyncset.s32 $0xFFFFF086  }
0x25: {  	[simem:s6], [sflag:s4] =	dma.local [hbm:s3], $0xF7A  }
0x26: {  	[smem:$0x3F9F] =	sst s1;
	(tag) =	ssettag s2;
	_ =	strace s9  }
0x27: {  	s1 =	sld [smem:$0x3FAF]  }
0x28: {  	s2 =	sld [smem:$0x3FB0]  }
0x29: {  	s4 =	sld [smem:$0x3FB2]  }
0x2a: {  	p0 =	seq.s32 s5, $0x0;
	s5 =	sld [smem:$0x3FB3]  }
0x2b: {  	s6 =	sld [smem:$0x3FB4]  }
0x2c: {  	s7 =	sld [smem:$0x3FB5]  }
0x2d: {  	s3 =	simm.s32 $0x108;
	s8 =	sld [smem:$0x3FB6]  }
0x2e: {  	s3 =	simm.s32 @!p0 $0x1082;
	s9 =	sld [smem:$0x3FB7]  }
0x2f: {  	lr =	sadd.s32 s0, s3;
	s0 =	sld [smem:$0x3FAE]  }
0x30: {  	s3 =	sld [smem:$0x3FB1]  }
0x31: {  	[smem:$0x3FBA] =	sst s10  }
0x32: {  	s10 =	sld [smem:$0x3FB8];
	_ =	sdelay $0x3  }
0x33: {  	p0 =	seq.s32 s10, $0x1;
	s10 =	sld [smem:$0x3FBA];
	_ =	sdelay $0x3  }
0x34: {  	[smem:$0x3FBA] =	sst s10  }
0x35: {  	s10 =	sld [smem:$0x3FB9];
	_ =	sdelay $0x3  }
0x36: {  	p1 =	seq.s32 s10, $0x1;
	s10 =	sld [smem:$0x3FBA];
	_ =	sdelay $0x3  }
0x37: {  	[smem:$0x3FBA] =	sst s10  }
0x38: {  	s10 =	sld [smem:$0x3FBB]  }
0x39: {  	_ = 	snop;
	(pc) =	sbr.ind lr, $3  }
0x3a: {  	_ = 	snop  }
0x3b: {  	_ = 	snop  }
0x3c: {  	p2 =	seq.s32 s10, $0x1;
	s10 =	sld [smem:$0x3FBA]  }
0x3d: {  	_ =	shalt  }
0x3e: {  	_ =	shalt  }
0x3f: {  	_ =	shalt  }
0x40: {  	_ =	shalt  }
0x41: {  	_ =	shalt  }
0x42: {  	_ =	shalt  }
0x43: {  	_ =	shalt  }
0x44: {  	_ =	shalt  }
0x45: {  	_ =	shalt  }
0x46: {  	_ =	shalt  }
0x47: {  	_ =	shalt  }
0x48: {  	_ =	shalt  }
0x49: {  	_ =	shalt  }
0x4a: {  	_ =	shalt  }
0x4b: {  	_ =	shalt  }
0x4c: {  	_ =	shalt  }
0x4d: {  	_ =	shalt  }
0x4e: {  	_ =	shalt  }
0x4f: {  	_ =	shalt  }
0x50: {  	_ =	shalt  }
0x51: {  	_ =	shalt  }
0x52: {  	_ =	shalt  }
0x53: {  	_ =	shalt  }
0x54: {  	_ =	shalt  }
0x55: {  	_ =	shalt  }
0x56: {  	_ =	shalt  }
0x57: {  	_ =	shalt  }
0x58: {  	_ =	shalt  }
0x59: {  	_ =	shalt  }
0x5a: {  	_ =	shalt  }
0x5b: {  	_ =	shalt  }
0x5c: {  	_ =	shalt  }
0x5d: {  	_ =	shalt  }
0x5e: {  	_ =	shalt  }
0x5f: {  	_ =	shalt  }
0x60: {  	_ =	shalt  }
0x61: {  	_ =	shalt  }
0x62: {  	_ =	shalt  }
0x63: {  	_ =	shalt  }
0x64: {  	_ =	shalt  }
0x65: {  	_ =	shalt  }
0x66: {  	_ =	shalt  }
0x67: {  	_ =	shalt  }
0x68: {  	_ =	shalt  }
0x69: {  	_ =	shalt  }
0x6a: {  	_ =	shalt  }
0x6b: {  	_ =	shalt  }
0x6c: {  	_ =	shalt  }
0x6d: {  	_ =	shalt  }
0x6e: {  	_ =	shalt  }
0x6f: {  	_ =	shalt  }
0x70: {  	_ =	shalt  }
0x71: {  	_ =	shalt  }
0x72: {  	_ =	shalt  }
0x73: {  	_ =	shalt  }
0x74: {  	_ =	shalt  }
0x75: {  	_ =	shalt  }
0x76: {  	_ =	shalt  }
0x77: {  	_ =	shalt  }
0x78: {  	_ =	shalt  }
0x79: {  	_ =	shalt  }
0x7a: {  	_ =	shalt  }
0x7b: {  	_ =	shalt  }
0x7c: {  	_ =	shalt  }
0x7d: {  	_ =	shalt  }
0x7e: {  	_ =	shalt  }
0x7f: {  	_ =	shalt  }
0x80: {  	_ =	shalt  }
0x81: {  	_ =	shalt  }
0x82: {  	_ =	shalt  }
0x83: {  	_ =	shalt  }
0x84: {  	_ =	shalt  }
0x85: {  	_ =	shalt  }
0x86: {  	_ =	shalt  }
0x87: {  	_ =	shalt  }
.Lfunc_end0:
.L_simem_size_0:
called_computation.1_lowered:
.L_overlay_start_0:
0x88: {  	s2 =	sld [smem:$0x3FD9]  }
0x89: {  	s3 =	sld [smem:$0x3FFE];
	_ =	sdelay $0x1  }
0x8a: {  	s1 =	srdreg.scid  }
0x8b: {  	s0 =	sand.u32 $0x1, s1  }
0x8c: {  	s14 =	sshll.u32 s0, $0xA;
	s2 =	sadd.s32 s3, s2  }
0x8d: {  	s2 =	sadd.s32 s2, s14  }
0x8e: {  	[smem:$0x3FC6] =	sst s2  }
0x8f: {  	_ = 	snop  }
0x90: {  	s2 =	sld [smem:$0x3FD0];
	_ =	sdelay $0x2  }
0x91: {  	s15 =	simm.s32 $0xB;
	s4 =	simm.s32 $0x10  }
0x92: {  	[smem:s4], [sflag:s15] =	dma.local [hbm:s2], $0x1  }
0x93: {  	_ =	swait.eq [sflag:s15], $0x1  }
0x94: {  	[sflag:s15] =	ssyncset.done $0x0  }
0x95: {  	[sflag:s15] =	ssyncadd.s32 $0xFFFFFFFF  }
0x96: {  	s16 =	sld [smem:$0x11];
	(tm) =	ssettm $0x1  }
0x97: {  	s17 =	sld [smem:$0x3FFB];
	_ =	sdelay $0x3  }
0x98: {  	_ =	strace s17  }
0x99: {  	s3 =	sld [smem:$0x3FFC];
	_ =	sdelay $0x3  }
0x9a: {  	_ =	strace s3  }
0x9b: {  	s3 =	sld [smem:$0x3FFD];
	_ =	sdelay $0x3  }
0x9c: {  	_ =	strace s3  }
0x9d: {  	_ =	strace $0x8FFFFFFF  }
0x9e: {  	s18 =	sld [smem:$0x3FDB];
	_ =	sdelay $0x1  }
0x9f: {  	s19 =	simm.s32 $_scs_section_size  }
0xa0: {  	s5 =	simm.s32 $_size__tile_overlayer_lowered;
	s6 =	simm.s32 $_tile_overlayer_lowered  }
0xa1: {  	s22 =	simm.s32 $0x1BFF;
	s21 =	sshll.u32 s6, $0x1;
	s3 =	sadd.s32 s19, s18  }
0xa2: {  	s7 =	simm.s32 $0x0;
	s20 =	sshll.u32 s5, $0x1;
	s5 =	sadd.s32 s21, s3  }
0xa3: {  	[timem:s7], [sflag:s22] =	dma.local [hbm:s5], s20  }
0xa4: {  	_ =	swait.ge [sflag:s22], s20  }
0xa5: {  	s4 =	ssub.s32 $0x0, s20;
	[sflag:s22] =	ssyncset.done $0x0  }
0xa6: {  	[sflag:s22] =	ssyncadd.s32 s4;
	_ =	sdelay $0x1  }
0xa7: {  	s23 =	simm.s32 $0x1B8B  }
0xa8: {  	_ =	swait.ge [sflag:s23], $0x1  }
0xa9: {  	[sflag:s23] =	ssyncset.done $0x0  }
0xaa: {  	s25 =	simm.s32 $0x1B8E;
	s24 =	sld [smem:$0x3FFE];
	[sflag:s23] =	ssyncadd.s32 $0xFFFFFFFF  }
0xab: {  	s26 =	simm.s32 $execute0_lowered;
	[smem:$0x3FD2] =	sst s25  }
0xac: {  	s5 =	sshll.u32 s26, $0x1;
	_ =	strace $0x80000046;
	[dreg:$0x1] =	wrdreg $0xFFFFFFFF  }
0xad: {  	s28 =	simm.s32 $_size_execute0_lowered;
	s3 =	sadd.s32 s3, s5;
	[dreg:$0x0] =	wrdreg $0x0  }
0xae: {  	s5 =	sshll.u32 s28, $0x1;
	[dreg:$0x2] =	wrdreg s3  }
0xaf: {  	[dreg:$0x3] =	wrdreg s5  }
0xb0: {  	[dreg:$0x4] =	wrdreg $0xC0  }
0xb1: {  	_ =	task [dreg:s7], $0x5FFFF  }
0xb2: {  	[dreg:$0x1] =	wrdreg $0xFFFFFFFF  }
0xb3: {  	[dreg:$0x0] =	wrdreg $0x60  }
0xb4: {  	[dreg:$0x2] =	wrdreg s16  }
0xb5: {  	[dreg:$0x3] =	wrdreg s24  }
0xb6: {  	[dreg:$0x4] =	wrdreg $0xA  }
0xb7: {  	_ =	task.clear_ibuf [dreg:s7], $0x5FFFF;
	_ =	strace $0x90000046  }
0xb8: {  	s29 =	simm.s32 $0xA;
	_ =	strace $0x80000048  }
0xb9: {  	_ =	swait.ge [sflag:s29], $0x1  }
0xba: {  	[sflag:s29] =	ssyncadd.s32 $0xFFFFFFFF  }
0xbb: {  	_ =	strace $0x90000048  }
0xbc: {  	_ =	sfence  }
0xbd: {  	s30 =	sld [smem:$0x0];
	_ =	sdelay $0x2  }
0xbe: {  	s31 =	sshll.u32 s1, $0xD;
	s1 =	sshrl.u32 s1, $0x2  }
0xbf: {  	s3 =	sand.u32 $0x4000, s31;
	s1 =	sadd.s32 s1, s30  }
0xc0: {  	s0 =	sor.u32 s3, s0;
	s1 =	sshll.u32 s1, $0x11  }
0xc1: {  	s0 =	sor.u32 s1, s0  }
0xc2: {  	s0 =	sadd.s32 $0x8F2B, s0  }
0xc3: {  	[sflag:s0] =	ssyncadd.remote.s32 $0x1  }
0xc4: {  	_ =	sfence.sel $0xFFFF  }
0xc5: {  	[dreg:$0x0] =	wrdreg $0xFFFFFFFF;
	(pc) =	sbr.abs _section_cstart, $3  }
0xc6: {  	[dreg:$0x1] =	wrdreg $0xFFFFFFFF  }
0xc7: {  	_ =	task.clear_ibuf [dreg:s7], $0x2FFFF;
	_ =	strace $0x9FFFFFFF  }
0xc8: {  	(tm) =	ssettm $0x7FFFFFFF  }
0xc9: {  	_ =	shalt  }
tec
execute0_lowered:
.L_overlay_start_1:
0x0: {  	(tag) =	ssettag $0x1  }
0x1: {  	s1 =	srdreg.scid  }
0x2: {  	s0 =	stileid.u32;
	s6 =	sand.u32 $0x1, s1  }
0x3: {  	s2 =	rddreg [dreg:$0x0];
	s30 =	sshll.u32 s0, $0x8;
	s3 =	sshll.u32 s6, $0x7  }
0x4: {  	s8 =	rddreg [dreg:$0x1];
	s7 =	simm.s32 $0x1;
	s9 =	sor.u32 s3, s30  }
0x5: {  	s1 =	rddreg [dreg:$0x2];
	s3 =	simm.s32 $0x0;
	s4 =	sshrl.u32 s9, $0x3  }
0x6: {  	s10 =	ssub.s32 $0x2, s6;
	[smem:$0x7FF] =	sst s3;
	s4 =	sadd.s32 s4, s8  }
0x7: {  	_ =	strace $0x80000047;
	s5 =	sadd.s32 $0xE00, s4;
	s4 =	simm.s32 $0x2  }
0x8: {  	[tilespmem:s3], [sflag:$0x2] =	stream.linear.gather [hbm4b:s5+s3], $0x80, $0x38;
	[tilespmem:$0x4080] =	vst v63  }
0x9: {  	s6 =	simm.s32 $0x80;
	s11 =	sshrl.u32 s10, $0x1;
	_ =	swait.ge [sflag:s4], $0x80  }
0xa: {  	s9 =	sshll.u32 s9, $0x4;
	s31 =	ssub.s32 s10, s11;
	[sflag:s4] =	ssyncset.done $0x0  }
0xb: {  	s8 =	sadd.s32 s9, s8;
	s9 =	smax.u32 s31, $0x1;
	[sflag:s4] =	ssyncadd.s32 $0xFFFFFF80  }
0xc: {  	[tilespmem:s6], [sflag:$0x1] =	stream.indirect.gather [hbm4b:s2+s6], $0x80, s3, s6, $0xb8;
	[tilespmem:$0x4080] =	vst v63  }
0xd: {  	p0 =	sne.s32 s9, $0x1;
	_ =	swait.ge [sflag:s7], $0x4000  }
.Ltmp0:
0xe: {  	[sflag:s7] =	ssyncset.done $0x0;
	(pc) =	sbr.rel @!p0 .LBB2_2-.Ltmp0, $4  }
0xf: {  	s8 =	sadd.s32 $0x1000, s8;
	[sflag:s7] =	ssyncadd.s32 $0xFFFFC000  }
0x10: {  	[hbm4b:s8+s3] =	stream.linear.scatter [tilespmem:s6], [sflag:$0x2], $0x4000, $0x38;
	[tilespmem:$0x4080] =	vst v63  }
0x11: {  	_ =	swait.ge [sflag:s4], $0x4000  }
0x12: {  	s9 =	sadd.s32 $0xFFFFFFFF, s9;
	[sflag:s4] =	ssyncset.done $0x0  }
.LBB2_1:
0x13: {  	p0 =	sne.s32 s9, $0x1;
	s9 =	sadd.s32 $0xFFFFFFFF, s9;
	[sflag:s4] =	ssyncadd.s32 $0xFFFFC000  }
0x14: {  	[tilespmem:s3], [sflag:$0x2] =	stream.linear.gather [hbm4b:s5+s3], $0x80, $0x38;
	[tilespmem:$0x4080] =	vst v63  }
0x15: {  	_ =	swait.ge [sflag:s4], $0x80  }
0x16: {  	[sflag:s4] =	ssyncset.done $0x0  }
0x17: {  	[sflag:s4] =	ssyncadd.s32 $0xFFFFFF80  }
0x18: {  	[tilespmem:s6], [sflag:$0x1] =	stream.indirect.gather [hbm4b:s2+s6], $0x80, s3, s6, $0xb8;
	[tilespmem:$0x4080] =	vst v63  }
0x19: {  	_ =	swait.ge [sflag:s7], $0x4000  }
.Ltmp1:
0x1a: {  	[sflag:s7] =	ssyncset.done $0x0;
	(pc) =	sbr.rel @p0 .LBB2_1-.Ltmp1, $4  }
0x1b: {  	[sflag:s7] =	ssyncadd.s32 $0xFFFFC000  }
0x1c: {  	[hbm4b:s8+s3] =	stream.linear.scatter [tilespmem:s6], [sflag:$0x2], $0x4000, $0x38;
	[tilespmem:$0x4080] =	vst v63  }
0x1d: {  	_ =	swait.ge [sflag:s4], $0x4000  }
0x1e: {  	[sflag:s4] =	ssyncset.done $0x0  }
.LBB2_2:
0x1f: {  	[sflag:s4] =	ssyncadd.s32 $0xFFFFC000  }
0x20: {  	_ =	sfence.sel $0x180000  }
0x21: {  	[bflag:$0x0] =	sbarrier.arrive $0xFFFF  }
0x22: {  	p0 =	sne.s32 s0, $0x0;
	_ =	strace $0x90000047  }
0x23: {  	s0 =	sadd.s32 @!p0 $0x100000, s1;
	[bflag:$0x2] =	sbarrier.arrive $0xFFFF  }
0x24: {  	[sflag:s0] =	ssyncadd.tile.s32 @!p0 $0x1;
	_ =	shalt  }
.Lfunc_end2:
_tile_overlayer_lowered:
.L_overlay_start_2:
0x25: {  	(tag) =	ssettag $0x2  }
0x26: {  	s0 =	rddreg [dreg:$0x0];
	s2 =	stileid.u32  }
0x27: {  	s1 =	rddreg [dreg:$0x1];
	p0 =	sne.s32 s2, $0x0  }
0x28: {  	s3 =	rddreg [dreg:$0x2];
	[bflag:$0x3] =	sbarrier.arrive $0xFFFF;
	s2 =	simm.s32 @!p0 $0x1C02  }
0x29: {  	[timem:s3], [sflag:s2] =	dma.local @!p0 [hbm:s0], s1  }
0x2a: {  	s0 =	simm.s32 @!p0 $0x2  }
0x2b: {  	_ =	swait.ge @!p0 [sflag:s0], s1  }
0x2c: {  	s1 =	ssub.s32 @!p0 $0x0, s1;
	[sflag:s0] =	ssyncset.done @!p0 $0x0  }
0x2d: {  	[sflag:s0] =	ssyncadd.s32 @!p0 s1  }
0x2e: {  	[bflag:$0x3] =	sbarrier.arrive $0xFFFF  }
0x2f: {  	_ =	shalt  }

</sc_bundles>
